<compile_context>
chip_gen: v7x
topology: tpu7x:2x2x1
jax: 0.10.2.dev20260603
libtpu: 0.0.44.dev20260713+nightly
codegen_flags: <defaults>
</compile_context>

<pallas_src>
import numpy as np
import jax
import jax.numpy as jnp
from jax.experimental import pallas as pl
from jax.experimental.pallas import tpu as pltpu
from jax.experimental.pallas import tpu_sc as plsc

_N = 512
_D = 128
_H = 4
_F = 64
_E = _N * (_N - 1)

_SC_NC = 2
_SC_NS = 16
_SC_NW = _SC_NC * _SC_NS
_SC_CHUNK = 8192
_SC_LAST = _E - (_SC_NW - 1) * _SC_CHUNK


def _build_edge_index() -> np.ndarray:
    base = np.arange(_N - 1, dtype=np.int32)[None, :]
    src_col = np.arange(_N, dtype=np.int32)[:, None]
    dst = (base + (base >= src_col).astype(np.int32)).reshape(-1)
    src = np.repeat(np.arange(_N, dtype=np.int32), _N - 1)
    return np.stack([src, dst])


_EDGE_INDEX = _build_edge_index()


def _leaky(x):
    return jnp.maximum(x, 0.2 * x)


def _gat_adj_kernel(emb_ref, w_ref, asrc_ref, adst_ref, out_ref):
    emb = emb_ref[:]
    w = w_ref[:]
    row = jax.lax.broadcasted_iota(jnp.int32, (_N, _N), 0)
    col = jax.lax.broadcasted_iota(jnp.int32, (_N, _N), 1)
    diag = row == col

    hp = jax.lax.Precision.HIGHEST

    def dot_t(a, b):
        return jax.lax.dot_general(
            a, b, (((1,), (1,)), ((), ())),
            preferred_element_type=jnp.float32, precision=hp)

    gi = jax.lax.broadcasted_iota(jnp.int32, (_H, _H * _F), 1) // _F
    hi = jax.lax.broadcasted_iota(jnp.int32, (_H, _H * _F), 0)
    head_sel = (gi == hi).astype(jnp.float32)
    asrc_tiled = jnp.concatenate([asrc_ref[:]] * _H, axis=1)
    adst_tiled = jnp.concatenate([adst_ref[:]] * _H, axis=1)
    a_s = head_sel * asrc_tiled
    a_d = head_sel * adst_tiled
    ws_t = dot_t(a_s, w)
    wd_t = dot_t(a_d, w)
    s_rows = dot_t(ws_t, emb)
    d_rows = dot_t(wd_t, emb)
    s_cols = jax.lax.dot_general(
        emb, ws_t, (((1,), (1,)), ((), ())),
        preferred_element_type=jnp.float32, precision=hp)

    m1 = jnp.max(s_rows, axis=1, keepdims=True)
    eq = s_rows == m1
    n_eq = jnp.sum(eq.astype(jnp.float32), axis=1, keepdims=True)
    m2 = jnp.max(jnp.where(eq, -jnp.inf, s_rows), axis=1, keepdims=True)
    m_at_eq = jnp.where(n_eq > 1.0, m1, m2)
    s_noj = jnp.where(eq, m_at_eq, m1)
    amax_all = _leaky(s_noj + d_rows)

    acc = None
    for h in range(_H):
        s = s_cols[:, h:h + 1]
        d = d_rows[h:h + 1, :]
        amax = amax_all[h:h + 1, :]
        p = jnp.where(diag, 0.0, jnp.exp(_leaky(s + d) - amax))
        denom = jnp.sum(p, axis=0, keepdims=True) + 1e-16
        contrib = p * ((1.0 / _H) / denom)
        acc = contrib if acc is None else acc + contrib
    out_ref[:] = acc


def _sc_emit_edges_kernel(ei_hbm, out_hbm, buf):
    c = jax.lax.axis_index("c")
    s = jax.lax.axis_index("s")
    wid = s * _SC_NC + c
    base = wid * _SC_CHUNK

    @pl.when(wid != _SC_NW - 1)
    def _full():
        pltpu.sync_copy(ei_hbm.at[:, pl.ds(base, _SC_CHUNK)], buf)
        pltpu.sync_copy(buf, out_hbm.at[:, pl.ds(base, _SC_CHUNK)])

    @pl.when(wid == _SC_NW - 1)
    def _trimmed():
        pltpu.sync_copy(ei_hbm.at[:, pl.ds(base, _SC_LAST)],
                        buf.at[:, pl.ds(0, _SC_LAST)])
        pltpu.sync_copy(buf.at[:, pl.ds(0, _SC_LAST)],
                        out_hbm.at[:, pl.ds(base, _SC_LAST)])


_sc_emit_edges = pl.kernel(
    _sc_emit_edges_kernel,
    out_type=jax.ShapeDtypeStruct((2, _E), jnp.int32),
    mesh=plsc.VectorSubcoreMesh(core_axis_name="c", subcore_axis_name="s"),
    scratch_types=[pltpu.VMEM((2, _SC_CHUNK), jnp.int32)],
)


@jax.jit
def _gat(input_emb, W, att_src, att_dst):
    adj = pl.pallas_call(
        _gat_adj_kernel,
        out_shape=jax.ShapeDtypeStruct((_N, _N), jnp.float32),
    )(input_emb, W, att_src, att_dst)
    edge_index = _sc_emit_edges(jnp.asarray(_EDGE_INDEX))
    return adj, edge_index


def kernel(input_emb, W, att_src, att_dst, bias):
    del bias
    adj_matrix, edge_index = _gat(input_emb, W, att_src, att_dst)
    return (edge_index, adj_matrix)

# --- scband reference (transcript-rebuilt; emitter-appended) ---
"""Pipeline reference for scband-graph-attention-learning-module-15771119911348 (READ-ONLY COPY).

The authoritative reference and input builder live on the scoring server;
editing this copy changes nothing except your own understanding.
"""

import jax, jax.numpy as jnp
import numpy as np

N = 512
D = 128
H = 4
F = 64


def setup_inputs(seed: int = 0) -> dict:
    key = jax.random.key(seed)
    k1, k2, k3, k4, k5 = jax.random.split(key, 5)
    return {
        "input_emb": jax.random.normal(k1, (N, D), dtype=jnp.float32),
        "W": jax.random.normal(k2, (D, H * F), dtype=jnp.float32) * 0.05,
        "att_src": jax.random.normal(k3, (H, F), dtype=jnp.float32) * 0.05,
        "att_dst": jax.random.normal(k4, (H, F), dtype=jnp.float32) * 0.05,
        "bias": jnp.zeros((H * F,), dtype=jnp.float32),
    }


def _edges():
    # torch.cartesian_prod(arange(N), arange(N)).T with self-loops removed
    ii = np.repeat(np.arange(N), N)
    jj = np.tile(np.arange(N), N)
    mask = ii != jj
    src = ii[mask]
    dst = jj[mask]
    return jnp.stack([jnp.asarray(src, dtype=jnp.int32), jnp.asarray(dst, dtype=jnp.int32)])


def reference(input_emb, W, att_src, att_dst, bias):
    edge_index = _edges()
    src, dst = edge_index[0], edge_index[1]

    # GATConv (PyG semantics, concat=True, add_self_loops=False)
    x = (input_emb @ W).reshape(N, H, F)
    a_src = (x * att_src[None, :, :]).sum(axis=-1)  # [N, H]
    a_dst = (x * att_dst[None, :, :]).sum(axis=-1)  # [N, H]

    alpha = a_src[src] + a_dst[dst]                 # [E, H]
    alpha = jax.nn.leaky_relu(alpha, negative_slope=0.2)
    amax = jax.ops.segment_max(alpha, dst, num_segments=N)
    alpha = jnp.exp(alpha - amax[dst])
    denom = jax.ops.segment_sum(alpha, dst, num_segments=N)
    alpha = alpha / (denom[dst] + 1e-16)            # softmax over incoming edges per dst

    msg = x[src] * alpha[:, :, None]                # [E, H, F]
    node_embeddings = jax.ops.segment_sum(msg, dst, num_segments=N).reshape(N, H * F) + bias
    _ = node_embeddings  # computed but unused, matching the torch forward

    # attention_weights [E, H] -> mean over heads, scatter-add into dense adjacency
    aw = alpha.mean(axis=1)                         # [E]
    adj_matrix = jnp.zeros((N, N), dtype=jnp.float32).at[src, dst].add(aw)
    return (edge_index, adj_matrix)

if __name__ == "__main__":
    import jax
    _d = setup_inputs()
    print(jax.jit(kernel)(*tuple(_d.values())))

</pallas_src>

<mosaic_0001>
#map = affine_map<(d0, d1) -> (0, 0)>
module attributes {stable_mosaic.version = 14 : i64} {
  func.func @_sc_emit_edges_kernel(%arg0: i32, %arg1: i32, %arg2: memref<2x261632xi32, #tpu.memory_space<hbm>>, %arg3: memref<2x261632xi32, #tpu.memory_space<hbm>>, %arg4: memref<2x8192xi32, #tpu.memory_space<vmem>>) attributes {dimension_semantics = [#tpu.dimension_semantics<core_parallel>, #tpu.dimension_semantics<subcore_parallel>], iteration_bounds = array<i64: 2, 16>, scalar_prefetch = 0 : i64, scratch_operands = 1 : i64, tpu.core_type = #tpu.core_type<sc_vector_subcore>, window_params = [{transform_indices = #map}, {transform_indices = #map}]} {
    %mul3A = arith.constant 2 : i32
    %mul3A_0 = arith.muli %arg1, %mul3A : i32
    %add3A = arith.addi %mul3A_0, %arg0 : i32
    %mul3A_1 = arith.constant 8192 : i32
    %mul3A_2 = arith.muli %add3A, %mul3A_1 : i32
    %ne3A = arith.constant 31 : i32
    %ne3A_3 = arith.cmpi ne, %add3A, %ne3A : i32
    %convert_element_type3A = arith.extui %ne3A_3 : i1 to i32
    %cond3A = arith.constant 0 : i32
    %cond3A_4 = arith.cmpi ne, %convert_element_type3A, %cond3A : i32
    scf.if %cond3A_4 {
      "tpu.region"() ({
        %run_scoped3A = tpu.sem_alloc : memref<!tpu.dma_semaphore, #tpu.memory_space<semaphore_mem>>
        %dma_start3A = arith.constant 0 : i32
        %dma_start3A_9 = tpu.memref_slice %arg2[%dma_start3A, %mul3A_2] : memref<2x261632xi32, #tpu.memory_space<hbm>> -> memref<2x8192xi32, #tpu.memory_space<hbm>>
        %dma_start3A_10 = arith.constant 0 : i32
        %dma_start3A_11 = tpu.memref_slice %arg2[%dma_start3A_10, %mul3A_2] : memref<2x261632xi32, #tpu.memory_space<hbm>> -> memref<2x8192xi32, #tpu.memory_space<hbm>>
        tpu.enqueue_dma source(%dma_start3A_11 : memref<2x8192xi32, #tpu.memory_space<hbm>>) target(%arg4 : memref<2x8192xi32, #tpu.memory_space<vmem>>) target_semaphore(%run_scoped3A : memref<!tpu.dma_semaphore, #tpu.memory_space<semaphore_mem>>)
        %dma_wait3A = arith.constant 0 : i32
        %dma_wait3A_12 = tpu.memref_slice %arg2[%dma_wait3A, %mul3A_2] : memref<2x261632xi32, #tpu.memory_space<hbm>> -> memref<2x8192xi32, #tpu.memory_space<hbm>>
        %dma_wait3A_13 = arith.constant 0 : i32
        %dma_wait3A_14 = tpu.memref_slice %arg2[%dma_wait3A_13, %mul3A_2] : memref<2x261632xi32, #tpu.memory_space<hbm>> -> memref<2x8192xi32, #tpu.memory_space<hbm>>
        tpu.wait_dma2 semaphore(%run_scoped3A : memref<!tpu.dma_semaphore, #tpu.memory_space<semaphore_mem>>) src(%dma_wait3A_14 : memref<2x8192xi32, #tpu.memory_space<hbm>>) dst(%arg4 : memref<2x8192xi32, #tpu.memory_space<vmem>>)
        tpu.yield
      }) : () -> ()
      "tpu.region"() ({
        %run_scoped3A = tpu.sem_alloc : memref<!tpu.dma_semaphore, #tpu.memory_space<semaphore_mem>>
        %dma_start3A = arith.constant 0 : i32
        %dma_start3A_9 = tpu.memref_slice %arg3[%dma_start3A, %mul3A_2] : memref<2x261632xi32, #tpu.memory_space<hbm>> -> memref<2x8192xi32, #tpu.memory_space<hbm>>
        %dma_start3A_10 = arith.constant 0 : i32
        %dma_start3A_11 = tpu.memref_slice %arg3[%dma_start3A_10, %mul3A_2] : memref<2x261632xi32, #tpu.memory_space<hbm>> -> memref<2x8192xi32, #tpu.memory_space<hbm>>
        tpu.enqueue_dma source(%arg4 : memref<2x8192xi32, #tpu.memory_space<vmem>>) target(%dma_start3A_11 : memref<2x8192xi32, #tpu.memory_space<hbm>>) target_semaphore(%run_scoped3A : memref<!tpu.dma_semaphore, #tpu.memory_space<semaphore_mem>>)
        %dma_wait3A = arith.constant 0 : i32
        %dma_wait3A_12 = tpu.memref_slice %arg3[%dma_wait3A, %mul3A_2] : memref<2x261632xi32, #tpu.memory_space<hbm>> -> memref<2x8192xi32, #tpu.memory_space<hbm>>
        %dma_wait3A_13 = arith.constant 0 : i32
        %dma_wait3A_14 = tpu.memref_slice %arg3[%dma_wait3A_13, %mul3A_2] : memref<2x261632xi32, #tpu.memory_space<hbm>> -> memref<2x8192xi32, #tpu.memory_space<hbm>>
        tpu.wait_dma2 semaphore(%run_scoped3A : memref<!tpu.dma_semaphore, #tpu.memory_space<semaphore_mem>>) src(%arg4 : memref<2x8192xi32, #tpu.memory_space<vmem>>) dst(%dma_wait3A_14 : memref<2x8192xi32, #tpu.memory_space<hbm>>)
        tpu.yield
      }) : () -> ()
    } else {
    }
    %eq3A = arith.constant 31 : i32
    %eq3A_5 = arith.cmpi eq, %add3A, %eq3A : i32
    %convert_element_type3A_6 = arith.extui %eq3A_5 : i1 to i32
    %cond3A_7 = arith.constant 0 : i32
    %cond3A_8 = arith.cmpi ne, %convert_element_type3A_6, %cond3A_7 : i32
    scf.if %cond3A_8 {
      "tpu.region"() ({
        %run_scoped3A = tpu.sem_alloc : memref<!tpu.dma_semaphore, #tpu.memory_space<semaphore_mem>>
        %dma_start3A = arith.constant 0 : i32
        %dma_start3A_9 = arith.constant 0 : i32
        %dma_start3A_10 = tpu.memref_slice %arg4[%dma_start3A, %dma_start3A_9] : memref<2x8192xi32, #tpu.memory_space<vmem>> -> memref<2x7680xi32, #tpu.memory_space<vmem>>
        %dma_start3A_11 = arith.constant 0 : i32
        %dma_start3A_12 = tpu.memref_slice %arg2[%dma_start3A_11, %mul3A_2] : memref<2x261632xi32, #tpu.memory_space<hbm>> -> memref<2x7680xi32, #tpu.memory_space<hbm>>
        %dma_start3A_13 = arith.constant 0 : i32
        %dma_start3A_14 = arith.constant 0 : i32
        %dma_start3A_15 = tpu.memref_slice %arg4[%dma_start3A_13, %dma_start3A_14] : memref<2x8192xi32, #tpu.memory_space<vmem>> -> memref<2x7680xi32, #tpu.memory_space<vmem>>
        %dma_start3A_16 = arith.constant 0 : i32
        %dma_start3A_17 = tpu.memref_slice %arg2[%dma_start3A_16, %mul3A_2] : memref<2x261632xi32, #tpu.memory_space<hbm>> -> memref<2x7680xi32, #tpu.memory_space<hbm>>
        tpu.enqueue_dma source(%dma_start3A_17 : memref<2x7680xi32, #tpu.memory_space<hbm>>) target(%dma_start3A_15 : memref<2x7680xi32, #tpu.memory_space<vmem>>) target_semaphore(%run_scoped3A : memref<!tpu.dma_semaphore, #tpu.memory_space<semaphore_mem>>)
        %dma_wait3A = arith.constant 0 : i32
        %dma_wait3A_18 = arith.constant 0 : i32
        %dma_wait3A_19 = tpu.memref_slice %arg4[%dma_wait3A, %dma_wait3A_18] : memref<2x8192xi32, #tpu.memory_space<vmem>> -> memref<2x7680xi32, #tpu.memory_space<vmem>>
        %dma_wait3A_20 = arith.constant 0 : i32
        %dma_wait3A_21 = tpu.memref_slice %arg2[%dma_wait3A_20, %mul3A_2] : memref<2x261632xi32, #tpu.memory_space<hbm>> -> memref<2x7680xi32, #tpu.memory_space<hbm>>
        %dma_wait3A_22 = arith.constant 0 : i32
        %dma_wait3A_23 = arith.constant 0 : i32
        %dma_wait3A_24 = tpu.memref_slice %arg4[%dma_wait3A_22, %dma_wait3A_23] : memref<2x8192xi32, #tpu.memory_space<vmem>> -> memref<2x7680xi32, #tpu.memory_space<vmem>>
        %dma_wait3A_25 = arith.constant 0 : i32
        %dma_wait3A_26 = tpu.memref_slice %arg2[%dma_wait3A_25, %mul3A_2] : memref<2x261632xi32, #tpu.memory_space<hbm>> -> memref<2x7680xi32, #tpu.memory_space<hbm>>
        tpu.wait_dma2 semaphore(%run_scoped3A : memref<!tpu.dma_semaphore, #tpu.memory_space<semaphore_mem>>) src(%dma_wait3A_26 : memref<2x7680xi32, #tpu.memory_space<hbm>>) dst(%dma_wait3A_24 : memref<2x7680xi32, #tpu.memory_space<vmem>>)
        tpu.yield
      }) : () -> ()
      "tpu.region"() ({
        %run_scoped3A = tpu.sem_alloc : memref<!tpu.dma_semaphore, #tpu.memory_space<semaphore_mem>>
        %dma_start3A = arith.constant 0 : i32
        %dma_start3A_9 = arith.constant 0 : i32
        %dma_start3A_10 = tpu.memref_slice %arg4[%dma_start3A, %dma_start3A_9] : memref<2x8192xi32, #tpu.memory_space<vmem>> -> memref<2x7680xi32, #tpu.memory_space<vmem>>
        %dma_start3A_11 = arith.constant 0 : i32
        %dma_start3A_12 = tpu.memref_slice %arg3[%dma_start3A_11, %mul3A_2] : memref<2x261632xi32, #tpu.memory_space<hbm>> -> memref<2x7680xi32, #tpu.memory_space<hbm>>
        %dma_start3A_13 = arith.constant 0 : i32
        %dma_start3A_14 = tpu.memref_slice %arg3[%dma_start3A_13, %mul3A_2] : memref<2x261632xi32, #tpu.memory_space<hbm>> -> memref<2x7680xi32, #tpu.memory_space<hbm>>
        %dma_start3A_15 = arith.constant 0 : i32
        %dma_start3A_16 = arith.constant 0 : i32
        %dma_start3A_17 = tpu.memref_slice %arg4[%dma_start3A_15, %dma_start3A_16] : memref<2x8192xi32, #tpu.memory_space<vmem>> -> memref<2x7680xi32, #tpu.memory_space<vmem>>
        tpu.enqueue_dma source(%dma_start3A_17 : memref<2x7680xi32, #tpu.memory_space<vmem>>) target(%dma_start3A_14 : memref<2x7680xi32, #tpu.memory_space<hbm>>) target_semaphore(%run_scoped3A : memref<!tpu.dma_semaphore, #tpu.memory_space<semaphore_mem>>)
        %dma_wait3A = arith.constant 0 : i32
        %dma_wait3A_18 = arith.constant 0 : i32
        %dma_wait3A_19 = tpu.memref_slice %arg4[%dma_wait3A, %dma_wait3A_18] : memref<2x8192xi32, #tpu.memory_space<vmem>> -> memref<2x7680xi32, #tpu.memory_space<vmem>>
        %dma_wait3A_20 = arith.constant 0 : i32
        %dma_wait3A_21 = tpu.memref_slice %arg3[%dma_wait3A_20, %mul3A_2] : memref<2x261632xi32, #tpu.memory_space<hbm>> -> memref<2x7680xi32, #tpu.memory_space<hbm>>
        %dma_wait3A_22 = arith.constant 0 : i32
        %dma_wait3A_23 = tpu.memref_slice %arg3[%dma_wait3A_22, %mul3A_2] : memref<2x261632xi32, #tpu.memory_space<hbm>> -> memref<2x7680xi32, #tpu.memory_space<hbm>>
        %dma_wait3A_24 = arith.constant 0 : i32
        %dma_wait3A_25 = arith.constant 0 : i32
        %dma_wait3A_26 = tpu.memref_slice %arg4[%dma_wait3A_24, %dma_wait3A_25] : memref<2x8192xi32, #tpu.memory_space<vmem>> -> memref<2x7680xi32, #tpu.memory_space<vmem>>
        tpu.wait_dma2 semaphore(%run_scoped3A : memref<!tpu.dma_semaphore, #tpu.memory_space<semaphore_mem>>) src(%dma_wait3A_26 : memref<2x7680xi32, #tpu.memory_space<vmem>>) dst(%dma_wait3A_23 : memref<2x7680xi32, #tpu.memory_space<hbm>>)
        tpu.yield
      }) : () -> ()
    } else {
    }
    return
  }
}

module attributes {stable_mosaic.version = 14 : i64} {
  func.func @_gat_adj_kernel(%arg0: memref<512x128xf32, #tpu.memory_space<vmem>>, %arg1: memref<128x256xf32, #tpu.memory_space<vmem>>, %arg2: memref<4x64xf32, #tpu.memory_space<vmem>>, %arg3: memref<4x64xf32, #tpu.memory_space<vmem>>, %arg4: memref<512x512xf32, #tpu.memory_space<vmem>>) attributes {dimension_semantics = [], scalar_prefetch = 0 : i64, scratch_operands = 0 : i64, tpu.core_type = #tpu.core_type<tc>} {
    %get3A = arith.constant 0 : index
    %get3A_0 = arith.constant 0 : index
    %get3A_1 = vector.load %arg0[%get3A, %get3A_0] : memref<512x128xf32, #tpu.memory_space<vmem>>, vector<512x128xf32>
    %get3A_2 = arith.constant 0 : index
    %get3A_3 = arith.constant 0 : index
    %get3A_4 = vector.load %arg1[%get3A_2, %get3A_3] : memref<128x256xf32, #tpu.memory_space<vmem>>, vector<128x256xf32>
    %iota3A = tpu.iota {dimensions = array<i32: 0>} : vector<512x512xi32>
    %iota3A_5 = tpu.iota {dimensions = array<i32: 1>} : vector<512x512xi32>
    %eq3A = arith.cmpi eq, %iota3A, %iota3A_5 : vector<512x512xi32>
    %iota3A_6 = tpu.iota {dimensions = array<i32: 1>} : vector<4x256xi32>
    %jit3A = arith.constant 64 : i32
    %div3A = vector.broadcast %jit3A : i32 to vector<4x256xi32>
    %div3A_7 = arith.divsi %iota3A_6, %div3A : vector<4x256xi32>
    %sign3A = arith.constant 0 : i32
    %sign3A_8 = vector.broadcast %sign3A : i32 to vector<4x256xi32>
    %sign3A_9 = arith.cmpi sgt, %iota3A_6, %sign3A_8 : vector<4x256xi32>
    %sign3A_10 = arith.extui %sign3A_9 : vector<4x256xi1> to vector<4x256xi32>
    %sign3A_11 = arith.constant 0 : i32
    %sign3A_12 = vector.broadcast %sign3A_11 : i32 to vector<4x256xi32>
    %sign3A_13 = arith.cmpi slt, %iota3A_6, %sign3A_12 : vector<4x256xi32>
    %sign3A_14 = arith.extui %sign3A_13 : vector<4x256xi1> to vector<4x256xi32>
    %sign3A_15 = arith.subi %sign3A_10, %sign3A_14 : vector<4x256xi32>
    %sign3A_16 = arith.constant 0 : i32
    %sign3A_17 = arith.cmpi sgt, %jit3A, %sign3A_16 : i32
    %sign3A_18 = arith.extui %sign3A_17 : i1 to i32
    %sign3A_19 = arith.constant 0 : i32
    %sign3A_20 = arith.cmpi slt, %jit3A, %sign3A_19 : i32
    %sign3A_21 = arith.extui %sign3A_20 : i1 to i32
    %sign3A_22 = arith.subi %sign3A_18, %sign3A_21 : i32
    %ne3A = vector.broadcast %sign3A_22 : i32 to vector<4x256xi32>
    %ne3A_23 = arith.cmpi ne, %sign3A_15, %ne3A : vector<4x256xi32>
    %rem3A = vector.broadcast %jit3A : i32 to vector<4x256xi32>
    %rem3A_24 = arith.remsi %iota3A_6, %rem3A : vector<4x256xi32>
    %ne3A_25 = arith.constant 0 : i32
    %ne3A_26 = vector.broadcast %ne3A_25 : i32 to vector<4x256xi32>
    %ne3A_27 = arith.cmpi ne, %rem3A_24, %ne3A_26 : vector<4x256xi32>
    %and3A = arith.andi %ne3A_23, %ne3A_27 : vector<4x256xi1>
    %sub3A = arith.constant 1 : i32
    %sub3A_28 = vector.broadcast %sub3A : i32 to vector<4x256xi32>
    %sub3A_29 = arith.subi %div3A_7, %sub3A_28 : vector<4x256xi32>
    %select_n3A = arith.select %and3A, %sub3A_29, %div3A_7 : vector<4x256xi1>, vector<4x256xi32>
    %iota3A_30 = tpu.iota {dimensions = array<i32: 0>} : vector<4x256xi32>
    %eq3A_31 = arith.cmpi eq, %select_n3A, %iota3A_30 : vector<4x256xi32>
    %convert_element_type3A = arith.extui %eq3A_31 : vector<4x256xi1> to vector<4x256xi32>
    %convert_element_type3A_32 = arith.sitofp %convert_element_type3A : vector<4x256xi32> to vector<4x256xf32>
    %get3A_33 = arith.constant 0 : index
    %get3A_34 = arith.constant 0 : index
    %get3A_35 = vector.load %arg2[%get3A_33, %get3A_34] : memref<4x64xf32, #tpu.memory_space<vmem>>, vector<4x64xf32>
    %concatenate3A = tpu.concatenate %get3A_35, %get3A_35, %get3A_35, %get3A_35 in 1 : vector<4x64xf32>, vector<4x64xf32>, vector<4x64xf32>, vector<4x64xf32> -> vector<4x256xf32>
    %get3A_36 = arith.constant 0 : index
    %get3A_37 = arith.constant 0 : index
    %get3A_38 = vector.load %arg3[%get3A_36, %get3A_37] : memref<4x64xf32, #tpu.memory_space<vmem>>, vector<4x64xf32>
    %concatenate3A_39 = tpu.concatenate %get3A_38, %get3A_38, %get3A_38, %get3A_38 in 1 : vector<4x64xf32>, vector<4x64xf32>, vector<4x64xf32>, vector<4x64xf32> -> vector<4x256xf32>
    %mul3A = arith.mulf %convert_element_type3A_32, %concatenate3A : vector<4x256xf32>
    %mul3A_40 = arith.mulf %convert_element_type3A_32, %concatenate3A_39 : vector<4x256xf32>
    %dot_general3A = arith.constant dense<0.000000e+00> : vector<4x128xf32>
    %dot_general3A_41 = tpu.matmul %mul3A, %get3A_4, %dot_general3A {dimension_numbers = #tpu.dot_dimension_numbers<[1], [1], [0], [0], [0, 0, 1, 0], [], []>, precision = #tpu.contract_precision<fp32>, transpose_lhs_hint = false} : vector<4x256xf32>, vector<128x256xf32>, vector<4x128xf32> -> vector<4x128xf32>
    %dot_general3A_42 = arith.constant dense<0.000000e+00> : vector<4x128xf32>
    %dot_general3A_43 = tpu.matmul %mul3A_40, %get3A_4, %dot_general3A_42 {dimension_numbers = #tpu.dot_dimension_numbers<[1], [1], [0], [0], [0, 0, 1, 0], [], []>, precision = #tpu.contract_precision<fp32>, transpose_lhs_hint = false} : vector<4x256xf32>, vector<128x256xf32>, vector<4x128xf32> -> vector<4x128xf32>
    %dot_general3A_44 = arith.constant dense<0.000000e+00> : vector<4x512xf32>
    %dot_general3A_45 = tpu.matmul %dot_general3A_41, %get3A_1, %dot_general3A_44 {dimension_numbers = #tpu.dot_dimension_numbers<[1], [1], [0], [0], [0, 0, 1, 0], [], []>, precision = #tpu.contract_precision<fp32>, transpose_lhs_hint = false} : vector<4x128xf32>, vector<512x128xf32>, vector<4x512xf32> -> vector<4x512xf32>
    %dot_general3A_46 = arith.constant dense<0.000000e+00> : vector<4x512xf32>
    %dot_general3A_47 = tpu.matmul %dot_general3A_43, %get3A_1, %dot_general3A_46 {dimension_numbers = #tpu.dot_dimension_numbers<[1], [1], [0], [0], [0, 0, 1, 0], [], []>, precision = #tpu.contract_precision<fp32>, transpose_lhs_hint = false} : vector<4x128xf32>, vector<512x128xf32>, vector<4x512xf32> -> vector<4x512xf32>
    %dot_general3A_48 = arith.constant dense<0.000000e+00> : vector<512x4xf32>
    %dot_general3A_49 = tpu.matmul %get3A_1, %dot_general3A_41, %dot_general3A_48 {dimension_numbers = #tpu.dot_dimension_numbers<[1], [1], [0], [0], [0, 0, 1, 0], [], []>, precision = #tpu.contract_precision<fp32>, transpose_lhs_hint = false} : vector<512x128xf32>, vector<4x128xf32>, vector<512x4xf32> -> vector<512x4xf32>
    %reduce_max3A = arith.constant dense<0xFF800000> : vector<4xf32>
    %reduce_max3A_50 = vector.multi_reduction <maximumf>, %dot_general3A_45, %reduce_max3A [1] : vector<4x512xf32> to vector<4xf32>
    %broadcast_in_dim3A = vector.shape_cast %reduce_max3A_50 : vector<4xf32> to vector<4x1xf32>
    %eq3A_51 = vector.broadcast %broadcast_in_dim3A : vector<4x1xf32> to vector<4x512xf32>
    %eq3A_52 = arith.cmpf oeq, %dot_general3A_45, %eq3A_51 : vector<4x512xf32>
    %convert_element_type3A_53 = arith.extui %eq3A_52 : vector<4x512xi1> to vector<4x512xi32>
    %convert_element_type3A_54 = arith.sitofp %convert_element_type3A_53 : vector<4x512xi32> to vector<4x512xf32>
    %reduce_sum3A = arith.constant dense<0.000000e+00> : vector<4xf32>
    %reduce_sum3A_55 = vector.multi_reduction <add>, %convert_element_type3A_54, %reduce_sum3A [1] : vector<4x512xf32> to vector<4xf32>
    %broadcast_in_dim3A_56 = vector.shape_cast %reduce_sum3A_55 : vector<4xf32> to vector<4x1xf32>
    %jit3A_57 = arith.constant 0xFF800000 : f32
    %broadcast_in_dim3A_58 = vector.broadcast %jit3A_57 : f32 to vector<4x512xf32>
    %select_n3A_59 = arith.select %eq3A_52, %broadcast_in_dim3A_58, %dot_general3A_45 : vector<4x512xi1>, vector<4x512xf32>
    %reduce_max3A_60 = arith.constant dense<0xFF800000> : vector<4xf32>
    %reduce_max3A_61 = vector.multi_reduction <maximumf>, %select_n3A_59, %reduce_max3A_60 [1] : vector<4x512xf32> to vector<4xf32>
    %broadcast_in_dim3A_62 = vector.shape_cast %reduce_max3A_61 : vector<4xf32> to vector<4x1xf32>
    %gt3A = arith.constant 1.000000e+00 : f32
    %gt3A_63 = vector.broadcast %gt3A : f32 to vector<4x1xf32>
    %gt3A_64 = arith.cmpf ogt, %broadcast_in_dim3A_56, %gt3A_63 : vector<4x1xf32>
    %select_n3A_65 = arith.select %gt3A_64, %broadcast_in_dim3A, %broadcast_in_dim3A_62 : vector<4x1xi1>, vector<4x1xf32>
    %broadcast_in_dim3A_66 = vector.shape_cast %select_n3A_65 : vector<4x1xf32> to vector<4x1xf32>
    %broadcast_in_dim3A_67 = vector.broadcast %broadcast_in_dim3A_66 : vector<4x1xf32> to vector<4x512xf32>
    %broadcast_in_dim3A_68 = vector.shape_cast %broadcast_in_dim3A : vector<4x1xf32> to vector<4x1xf32>
    %broadcast_in_dim3A_69 = vector.broadcast %broadcast_in_dim3A_68 : vector<4x1xf32> to vector<4x512xf32>
    %select_n3A_70 = arith.select %eq3A_52, %broadcast_in_dim3A_67, %broadcast_in_dim3A_69 : vector<4x512xi1>, vector<4x512xf32>
    %add3A = arith.addf %select_n3A_70, %dot_general3A_47 : vector<4x512xf32>
    %mul3A_71 = arith.constant 2.000000e-01 : f32
    %mul3A_72 = vector.broadcast %mul3A_71 : f32 to vector<4x512xf32>
    %mul3A_73 = arith.mulf %mul3A_72, %add3A : vector<4x512xf32>
    %max3A = arith.maximumf %add3A, %mul3A_73 : vector<4x512xf32>
    %slice3A = vector.extract_strided_slice %dot_general3A_49 {offsets = [0, 0], sizes = [512, 1], strides = [1, 1]} : vector<512x4xf32> to vector<512x1xf32>
    %slice3A_74 = vector.extract_strided_slice %dot_general3A_47 {offsets = [0, 0], sizes = [1, 512], strides = [1, 1]} : vector<4x512xf32> to vector<1x512xf32>
    %slice3A_75 = vector.extract_strided_slice %max3A {offsets = [0, 0], sizes = [1, 512], strides = [1, 1]} : vector<4x512xf32> to vector<1x512xf32>
    %add3A_76 = vector.broadcast %slice3A : vector<512x1xf32> to vector<512x512xf32>
    %add3A_77 = vector.broadcast %slice3A_74 : vector<1x512xf32> to vector<512x512xf32>
    %add3A_78 = arith.addf %add3A_76, %add3A_77 : vector<512x512xf32>
    %mul3A_79 = arith.constant 2.000000e-01 : f32
    %mul3A_80 = vector.broadcast %mul3A_79 : f32 to vector<512x512xf32>
    %mul3A_81 = arith.mulf %mul3A_80, %add3A_78 : vector<512x512xf32>
    %max3A_82 = arith.maximumf %add3A_78, %mul3A_81 : vector<512x512xf32>
    %sub3A_83 = vector.broadcast %slice3A_75 : vector<1x512xf32> to vector<512x512xf32>
    %sub3A_84 = arith.subf %max3A_82, %sub3A_83 : vector<512x512xf32>
    %exp3A = math.exp %sub3A_84 : vector<512x512xf32>
    %jit3A_85 = arith.constant 0.000000e+00 : f32
    %broadcast_in_dim3A_86 = vector.broadcast %jit3A_85 : f32 to vector<512x512xf32>
    %select_n3A_87 = arith.select %eq3A, %broadcast_in_dim3A_86, %exp3A : vector<512x512xi1>, vector<512x512xf32>
    %reduce_sum3A_88 = arith.constant dense<0.000000e+00> : vector<512xf32>
    %reduce_sum3A_89 = vector.multi_reduction <add>, %select_n3A_87, %reduce_sum3A_88 [0] : vector<512x512xf32> to vector<512xf32>
    %broadcast_in_dim3A_90 = vector.shape_cast %reduce_sum3A_89 : vector<512xf32> to vector<1x512xf32>
    %add3A_91 = arith.constant 1.000000e-16 : f32
    %add3A_92 = vector.broadcast %add3A_91 : f32 to vector<1x512xf32>
    %add3A_93 = arith.addf %broadcast_in_dim3A_90, %add3A_92 : vector<1x512xf32>
    %div3A_94 = arith.constant 2.500000e-01 : f32
    %div3A_95 = vector.broadcast %div3A_94 : f32 to vector<1x512xf32>
    %div3A_96 = arith.divf %div3A_95, %add3A_93 : vector<1x512xf32>
    %mul3A_97 = vector.broadcast %div3A_96 : vector<1x512xf32> to vector<512x512xf32>
    %mul3A_98 = arith.mulf %select_n3A_87, %mul3A_97 : vector<512x512xf32>
    %slice3A_99 = vector.extract_strided_slice %dot_general3A_49 {offsets = [0, 1], sizes = [512, 1], strides = [1, 1]} : vector<512x4xf32> to vector<512x1xf32>
    %slice3A_100 = vector.extract_strided_slice %dot_general3A_47 {offsets = [1, 0], sizes = [1, 512], strides = [1, 1]} : vector<4x512xf32> to vector<1x512xf32>
    %slice3A_101 = vector.extract_strided_slice %max3A {offsets = [1, 0], sizes = [1, 512], strides = [1, 1]} : vector<4x512xf32> to vector<1x512xf32>
    %add3A_102 = vector.broadcast %slice3A_99 : vector<512x1xf32> to vector<512x512xf32>
    %add3A_103 = vector.broadcast %slice3A_100 : vector<1x512xf32> to vector<512x512xf32>
    %add3A_104 = arith.addf %add3A_102, %add3A_103 : vector<512x512xf32>
    %mul3A_105 = arith.constant 2.000000e-01 : f32
    %mul3A_106 = vector.broadcast %mul3A_105 : f32 to vector<512x512xf32>
    %mul3A_107 = arith.mulf %mul3A_106, %add3A_104 : vector<512x512xf32>
    %max3A_108 = arith.maximumf %add3A_104, %mul3A_107 : vector<512x512xf32>
    %sub3A_109 = vector.broadcast %slice3A_101 : vector<1x512xf32> to vector<512x512xf32>
    %sub3A_110 = arith.subf %max3A_108, %sub3A_109 : vector<512x512xf32>
    %exp3A_111 = math.exp %sub3A_110 : vector<512x512xf32>
    %jit3A_112 = arith.constant 0.000000e+00 : f32
    %broadcast_in_dim3A_113 = vector.broadcast %jit3A_112 : f32 to vector<512x512xf32>
    %select_n3A_114 = arith.select %eq3A, %broadcast_in_dim3A_113, %exp3A_111 : vector<512x512xi1>, vector<512x512xf32>
    %reduce_sum3A_115 = arith.constant dense<0.000000e+00> : vector<512xf32>
    %reduce_sum3A_116 = vector.multi_reduction <add>, %select_n3A_114, %reduce_sum3A_115 [0] : vector<512x512xf32> to vector<512xf32>
    %broadcast_in_dim3A_117 = vector.shape_cast %reduce_sum3A_116 : vector<512xf32> to vector<1x512xf32>
    %add3A_118 = arith.constant 1.000000e-16 : f32
    %add3A_119 = vector.broadcast %add3A_118 : f32 to vector<1x512xf32>
    %add3A_120 = arith.addf %broadcast_in_dim3A_117, %add3A_119 : vector<1x512xf32>
    %div3A_121 = arith.constant 2.500000e-01 : f32
    %div3A_122 = vector.broadcast %div3A_121 : f32 to vector<1x512xf32>
    %div3A_123 = arith.divf %div3A_122, %add3A_120 : vector<1x512xf32>
    %mul3A_124 = vector.broadcast %div3A_123 : vector<1x512xf32> to vector<512x512xf32>
    %mul3A_125 = arith.mulf %select_n3A_114, %mul3A_124 : vector<512x512xf32>
    %add3A_126 = arith.addf %mul3A_98, %mul3A_125 : vector<512x512xf32>
    %slice3A_127 = vector.extract_strided_slice %dot_general3A_49 {offsets = [0, 2], sizes = [512, 1], strides = [1, 1]} : vector<512x4xf32> to vector<512x1xf32>
    %slice3A_128 = vector.extract_strided_slice %dot_general3A_47 {offsets = [2, 0], sizes = [1, 512], strides = [1, 1]} : vector<4x512xf32> to vector<1x512xf32>
    %slice3A_129 = vector.extract_strided_slice %max3A {offsets = [2, 0], sizes = [1, 512], strides = [1, 1]} : vector<4x512xf32> to vector<1x512xf32>
    %add3A_130 = vector.broadcast %slice3A_127 : vector<512x1xf32> to vector<512x512xf32>
    %add3A_131 = vector.broadcast %slice3A_128 : vector<1x512xf32> to vector<512x512xf32>
    %add3A_132 = arith.addf %add3A_130, %add3A_131 : vector<512x512xf32>
    %mul3A_133 = arith.constant 2.000000e-01 : f32
    %mul3A_134 = vector.broadcast %mul3A_133 : f32 to vector<512x512xf32>
    %mul3A_135 = arith.mulf %mul3A_134, %add3A_132 : vector<512x512xf32>
    %max3A_136 = arith.maximumf %add3A_132, %mul3A_135 : vector<512x512xf32>
    %sub3A_137 = vector.broadcast %slice3A_129 : vector<1x512xf32> to vector<512x512xf32>
    %sub3A_138 = arith.subf %max3A_136, %sub3A_137 : vector<512x512xf32>
    %exp3A_139 = math.exp %sub3A_138 : vector<512x512xf32>
    %jit3A_140 = arith.constant 0.000000e+00 : f32
    %broadcast_in_dim3A_141 = vector.broadcast %jit3A_140 : f32 to vector<512x512xf32>
    %select_n3A_142 = arith.select %eq3A, %broadcast_in_dim3A_141, %exp3A_139 : vector<512x512xi1>, vector<512x512xf32>
    %reduce_sum3A_143 = arith.constant dense<0.000000e+00> : vector<512xf32>
    %reduce_sum3A_144 = vector.multi_reduction <add>, %select_n3A_142, %reduce_sum3A_143 [0] : vector<512x512xf32> to vector<512xf32>
    %broadcast_in_dim3A_145 = vector.shape_cast %reduce_sum3A_144 : vector<512xf32> to vector<1x512xf32>
    %add3A_146 = arith.constant 1.000000e-16 : f32
    %add3A_147 = vector.broadcast %add3A_146 : f32 to vector<1x512xf32>
    %add3A_148 = arith.addf %broadcast_in_dim3A_145, %add3A_147 : vector<1x512xf32>
    %div3A_149 = arith.constant 2.500000e-01 : f32
    %div3A_150 = vector.broadcast %div3A_149 : f32 to vector<1x512xf32>
    %div3A_151 = arith.divf %div3A_150, %add3A_148 : vector<1x512xf32>
    %mul3A_152 = vector.broadcast %div3A_151 : vector<1x512xf32> to vector<512x512xf32>
    %mul3A_153 = arith.mulf %select_n3A_142, %mul3A_152 : vector<512x512xf32>
    %add3A_154 = arith.addf %add3A_126, %mul3A_153 : vector<512x512xf32>
    %slice3A_155 = vector.extract_strided_slice %dot_general3A_49 {offsets = [0, 3], sizes = [512, 1], strides = [1, 1]} : vector<512x4xf32> to vector<512x1xf32>
    %slice3A_156 = vector.extract_strided_slice %dot_general3A_47 {offsets = [3, 0], sizes = [1, 512], strides = [1, 1]} : vector<4x512xf32> to vector<1x512xf32>
    %slice3A_157 = vector.extract_strided_slice %max3A {offsets = [3, 0], sizes = [1, 512], strides = [1, 1]} : vector<4x512xf32> to vector<1x512xf32>
    %add3A_158 = vector.broadcast %slice3A_155 : vector<512x1xf32> to vector<512x512xf32>
    %add3A_159 = vector.broadcast %slice3A_156 : vector<1x512xf32> to vector<512x512xf32>
    %add3A_160 = arith.addf %add3A_158, %add3A_159 : vector<512x512xf32>
    %mul3A_161 = arith.constant 2.000000e-01 : f32
    %mul3A_162 = vector.broadcast %mul3A_161 : f32 to vector<512x512xf32>
    %mul3A_163 = arith.mulf %mul3A_162, %add3A_160 : vector<512x512xf32>
    %max3A_164 = arith.maximumf %add3A_160, %mul3A_163 : vector<512x512xf32>
    %sub3A_165 = vector.broadcast %slice3A_157 : vector<1x512xf32> to vector<512x512xf32>
    %sub3A_166 = arith.subf %max3A_164, %sub3A_165 : vector<512x512xf32>
    %exp3A_167 = math.exp %sub3A_166 : vector<512x512xf32>
    %jit3A_168 = arith.constant 0.000000e+00 : f32
    %broadcast_in_dim3A_169 = vector.broadcast %jit3A_168 : f32 to vector<512x512xf32>
    %select_n3A_170 = arith.select %eq3A, %broadcast_in_dim3A_169, %exp3A_167 : vector<512x512xi1>, vector<512x512xf32>
    %reduce_sum3A_171 = arith.constant dense<0.000000e+00> : vector<512xf32>
    %reduce_sum3A_172 = vector.multi_reduction <add>, %select_n3A_170, %reduce_sum3A_171 [0] : vector<512x512xf32> to vector<512xf32>
    %broadcast_in_dim3A_173 = vector.shape_cast %reduce_sum3A_172 : vector<512xf32> to vector<1x512xf32>
    %add3A_174 = arith.constant 1.000000e-16 : f32
    %add3A_175 = vector.broadcast %add3A_174 : f32 to vector<1x512xf32>
    %add3A_176 = arith.addf %broadcast_in_dim3A_173, %add3A_175 : vector<1x512xf32>
    %div3A_177 = arith.constant 2.500000e-01 : f32
    %div3A_178 = vector.broadcast %div3A_177 : f32 to vector<1x512xf32>
    %div3A_179 = arith.divf %div3A_178, %add3A_176 : vector<1x512xf32>
    %mul3A_180 = vector.broadcast %div3A_179 : vector<1x512xf32> to vector<512x512xf32>
    %mul3A_181 = arith.mulf %select_n3A_170, %mul3A_180 : vector<512x512xf32>
    %add3A_182 = arith.addf %add3A_154, %mul3A_181 : vector<512x512xf32>
    %swap3A = arith.constant 0 : index
    %swap3A_183 = arith.constant 0 : index
    %swap3A_184 = vector.load %arg4[%swap3A, %swap3A_183] : memref<512x512xf32, #tpu.memory_space<vmem>>, vector<512x512xf32>
    tpu.vector_store %arg4[%swap3A, %swap3A_183], %add3A_182 {strides = array<i32>} : memref<512x512xf32, #tpu.memory_space<vmem>>, vector<512x512xf32>,
    return
  }
}

</mosaic_0001>

<sc_bundles>
// kernel: _gat.4.cloned.1.call-start
scs
__scs_entry_jumppad:
0x0: {  	(pc) =	sbr.rel $0x88, $3  }
0x1: {  	(tag) =	ssettag $0x0;
	lr =	simm.s32 $0x1  }
0x2: {  	[smem:$0x3F9D] =	sst lr;
	_ =	strace $0xD0000000  }
0x3: {  	_ = 	snop  }
0x4: {  	_ = 	snop  }
0x5: {  	_ = 	snop  }
0x6: {  	_ = 	snop  }
0x7: {  	_ = 	snop  }
__scs_overlays_trampoline_lowered:
0x8: {  	[smem:$0x3FAC] =	sst s0  }
0x9: {  	[smem:$0x3FAD] =	sst s1  }
0xa: {  	[smem:$0x3FAE] =	sst s2  }
0xb: {  	[smem:$0x3FAF] =	sst s3  }
0xc: {  	[smem:$0x3FB0] =	sst s4  }
0xd: {  	[smem:$0x3FB1] =	sst s5  }
0xe: {  	[smem:$0x3FB2] =	sst s6  }
0xf: {  	[smem:$0x3FB3] =	sst s7  }
0x10: {  	[smem:$0x3FB4] =	sst s8  }
0x11: {  	[smem:$0x3FB5] =	sst s9;
	s0 =	simm.s32 @!p0 $0x0  }
0x12: {  	s1 =	sld [smem:$0x3F9B];
	s0 =	simm.s32 @p0 $0x1  }
0x13: {  	[smem:$0x3FB6] =	sst s0;
	s0 =	simm.s32 @!p1 $0x0  }
0x14: {  	s2 =	sld [smem:$0x3F9A];
	s0 =	simm.s32 @p1 $0x1  }
0x15: {  	[smem:$0x3FB7] =	sst s0;
	s0 =	simm.s32 @!p2 $0x0  }
0x16: {  	s3 =	sld [smem:$0x3FDB];
	s0 =	simm.s32 @p2 $0x1  }
0x17: {  	s4 =	simm.s32 $0x1BF5;
	[smem:$0x3FB9] =	sst s0  }
0x18: {  	s0 =	sld [smem:$0x3F9C];
	_ =	swait.ge [sflag:s4], $0x0  }
0x19: {  	s7 =	sld [smem:$0x3F9D]  }
0x1a: {  	s8 =	sadd.s32 $0xFFFFE003, lr  }
0x1b: {  	s9 =	sadd.s32 $0xFFFFFEF7, lr;
	s5 =	simm.s32 $0xFFFFFFFF;
	p2 =	slt.u32 s8, $0xFFFFF086  }
0x1c: {  	p1 =	slt.u32 s9, $0xF7A;
	s5 =	simm.s32 @!p2 $0x0  }
0x1d: {  	s5 =	simm.s32 @p1 $0x1;
	p0 =	seq.s32 s7, s2  }
0x1e: {  	s7 =	smul.u32 @!p0 $0xF7A, s2;
	p2 =	seq.s32 @!p0 s5, $0x0  }
0x1f: {  	s9 =	smul.u32 $0xF7A, s1;
	s8 =	simm.s32 @!p0 $0x1BF5;
	p2 =	por !p2, p0  }
0x20: {  	[sflag:s8] =	ssyncset.s32 @!p0 $0xFFFFF086;
	s6 =	sadd.s32 @!p0 s3, s7;
	s7 =	simm.s32 @!p0 $0x108  }
0x21: {  	s3 =	sadd.s32 s3, s9;
	s6 =	sadd.s32 @!p0 $0x88, s6;
	s7 =	simm.s32 @p2 $0x1082  }
0x22: {  	[simem:s7], [sflag:s8] =	dma.local @!p0 [hbm:s6], $0xF7A  }
0x23: {  	s9 =	sor.u32 $0xD0000000, s2;
	s6 =	simm.s32 $0x108;
	_ =	swait.ge @!p0 [sflag:s8], $0x0  }
0x24: {  	s3 =	sadd.s32 $0x88, s3;
	s6 =	simm.s32 @!p1 $0x1082;
	[sflag:s4] =	ssyncset.s32 $0xFFFFF086  }
0x25: {  	[simem:s6], [sflag:s4] =	dma.local [hbm:s3], $0xF7A  }
0x26: {  	[smem:$0x3F9D] =	sst s1;
	(tag) =	ssettag s2;
	_ =	strace s9  }
0x27: {  	s1 =	sld [smem:$0x3FAD]  }
0x28: {  	s2 =	sld [smem:$0x3FAE]  }
0x29: {  	s4 =	sld [smem:$0x3FB0]  }
0x2a: {  	p0 =	seq.s32 s5, $0x0;
	s5 =	sld [smem:$0x3FB1]  }
0x2b: {  	s6 =	sld [smem:$0x3FB2]  }
0x2c: {  	s7 =	sld [smem:$0x3FB3]  }
0x2d: {  	s3 =	simm.s32 $0x108;
	s8 =	sld [smem:$0x3FB4]  }
0x2e: {  	s3 =	simm.s32 @!p0 $0x1082;
	s9 =	sld [smem:$0x3FB5]  }
0x2f: {  	lr =	sadd.s32 s0, s3;
	s0 =	sld [smem:$0x3FAC]  }
0x30: {  	s3 =	sld [smem:$0x3FAF]  }
0x31: {  	[smem:$0x3FB8] =	sst s10  }
0x32: {  	s10 =	sld [smem:$0x3FB6];
	_ =	sdelay $0x3  }
0x33: {  	p0 =	seq.s32 s10, $0x1;
	s10 =	sld [smem:$0x3FB8];
	_ =	sdelay $0x3  }
0x34: {  	[smem:$0x3FB8] =	sst s10  }
0x35: {  	s10 =	sld [smem:$0x3FB7];
	_ =	sdelay $0x3  }
0x36: {  	p1 =	seq.s32 s10, $0x1;
	s10 =	sld [smem:$0x3FB8];
	_ =	sdelay $0x3  }
0x37: {  	[smem:$0x3FB8] =	sst s10  }
0x38: {  	s10 =	sld [smem:$0x3FB9]  }
0x39: {  	_ = 	snop;
	(pc) =	sbr.ind lr, $3  }
0x3a: {  	_ = 	snop  }
0x3b: {  	_ = 	snop  }
0x3c: {  	p2 =	seq.s32 s10, $0x1;
	s10 =	sld [smem:$0x3FB8]  }
0x3d: {  	_ =	shalt  }
0x3e: {  	_ =	shalt  }
0x3f: {  	_ =	shalt  }
0x40: {  	_ =	shalt  }
0x41: {  	_ =	shalt  }
0x42: {  	_ =	shalt  }
0x43: {  	_ =	shalt  }
0x44: {  	_ =	shalt  }
0x45: {  	_ =	shalt  }
0x46: {  	_ =	shalt  }
0x47: {  	_ =	shalt  }
0x48: {  	_ =	shalt  }
0x49: {  	_ =	shalt  }
0x4a: {  	_ =	shalt  }
0x4b: {  	_ =	shalt  }
0x4c: {  	_ =	shalt  }
0x4d: {  	_ =	shalt  }
0x4e: {  	_ =	shalt  }
0x4f: {  	_ =	shalt  }
0x50: {  	_ =	shalt  }
0x51: {  	_ =	shalt  }
0x52: {  	_ =	shalt  }
0x53: {  	_ =	shalt  }
0x54: {  	_ =	shalt  }
0x55: {  	_ =	shalt  }
0x56: {  	_ =	shalt  }
0x57: {  	_ =	shalt  }
0x58: {  	_ =	shalt  }
0x59: {  	_ =	shalt  }
0x5a: {  	_ =	shalt  }
0x5b: {  	_ =	shalt  }
0x5c: {  	_ =	shalt  }
0x5d: {  	_ =	shalt  }
0x5e: {  	_ =	shalt  }
0x5f: {  	_ =	shalt  }
0x60: {  	_ =	shalt  }
0x61: {  	_ =	shalt  }
0x62: {  	_ =	shalt  }
0x63: {  	_ =	shalt  }
0x64: {  	_ =	shalt  }
0x65: {  	_ =	shalt  }
0x66: {  	_ =	shalt  }
0x67: {  	_ =	shalt  }
0x68: {  	_ =	shalt  }
0x69: {  	_ =	shalt  }
0x6a: {  	_ =	shalt  }
0x6b: {  	_ =	shalt  }
0x6c: {  	_ =	shalt  }
0x6d: {  	_ =	shalt  }
0x6e: {  	_ =	shalt  }
0x6f: {  	_ =	shalt  }
0x70: {  	_ =	shalt  }
0x71: {  	_ =	shalt  }
0x72: {  	_ =	shalt  }
0x73: {  	_ =	shalt  }
0x74: {  	_ =	shalt  }
0x75: {  	_ =	shalt  }
0x76: {  	_ =	shalt  }
0x77: {  	_ =	shalt  }
0x78: {  	_ =	shalt  }
0x79: {  	_ =	shalt  }
0x7a: {  	_ =	shalt  }
0x7b: {  	_ =	shalt  }
0x7c: {  	_ =	shalt  }
0x7d: {  	_ =	shalt  }
0x7e: {  	_ =	shalt  }
0x7f: {  	_ =	shalt  }
0x80: {  	_ =	shalt  }
0x81: {  	_ =	shalt  }
0x82: {  	_ =	shalt  }
0x83: {  	_ =	shalt  }
0x84: {  	_ =	shalt  }
0x85: {  	_ =	shalt  }
0x86: {  	_ =	shalt  }
0x87: {  	_ =	shalt  }
.Lfunc_end0:
.L_simem_size_0:
called_computation_lowered:
.L_overlay_start_0:
0x88: {  	s2 =	sld [smem:$0x3FD9]  }
0x89: {  	s3 =	sld [smem:$0x3FFE];
	_ =	sdelay $0x1  }
0x8a: {  	s1 =	srdreg.scid  }
0x8b: {  	s0 =	sand.u32 $0x1, s1  }
0x8c: {  	s14 =	sshll.u32 s0, $0xA;
	s2 =	sadd.s32 s3, s2  }
0x8d: {  	s2 =	sadd.s32 s2, s14  }
0x8e: {  	[smem:$0x3FC4] =	sst s2  }
0x8f: {  	_ = 	snop  }
0x90: {  	s2 =	sld [smem:$0x3FD0];
	_ =	sdelay $0x2  }
0x91: {  	s15 =	simm.s32 $0xA;
	s4 =	simm.s32 $0x10  }
0x92: {  	[smem:s4], [sflag:s15] =	dma.local [hbm:s2], $0x1  }
0x93: {  	_ =	swait.eq [sflag:s15], $0x1  }
0x94: {  	[sflag:s15] =	ssyncset.done $0x0  }
0x95: {  	[sflag:s15] =	ssyncadd.s32 $0xFFFFFFFF  }
0x96: {  	s16 =	sld [smem:$0x11];
	(tm) =	ssettm $0x1  }
0x97: {  	s17 =	sld [smem:$0x3FFB];
	_ =	sdelay $0x3  }
0x98: {  	_ =	strace s17  }
0x99: {  	s3 =	sld [smem:$0x3FFC];
	_ =	sdelay $0x3  }
0x9a: {  	_ =	strace s3  }
0x9b: {  	s3 =	sld [smem:$0x3FFD];
	_ =	sdelay $0x3  }
0x9c: {  	_ =	strace s3  }
0x9d: {  	_ =	strace $0x8FFFFFFF  }
0x9e: {  	s18 =	sld [smem:$0x3FDB];
	_ =	sdelay $0x1  }
0x9f: {  	s19 =	simm.s32 $_scs_section_size  }
0xa0: {  	s5 =	simm.s32 $_size__tile_overlayer_lowered;
	s6 =	simm.s32 $_tile_overlayer_lowered  }
0xa1: {  	s22 =	simm.s32 $0x1BFF;
	s21 =	sshll.u32 s6, $0x1;
	s3 =	sadd.s32 s19, s18  }
0xa2: {  	s7 =	simm.s32 $0x0;
	s20 =	sshll.u32 s5, $0x1;
	s5 =	sadd.s32 s21, s3  }
0xa3: {  	[timem:s7], [sflag:s22] =	dma.local [hbm:s5], s20  }
0xa4: {  	_ =	swait.ge [sflag:s22], s20  }
0xa5: {  	s4 =	ssub.s32 $0x0, s20;
	[sflag:s22] =	ssyncset.done $0x0  }
0xa6: {  	[sflag:s22] =	ssyncadd.s32 s4;
	_ =	sdelay $0x1  }
0xa7: {  	s23 =	simm.s32 $0x1B8B  }
0xa8: {  	_ =	swait.ge [sflag:s23], $0x1  }
0xa9: {  	[sflag:s23] =	ssyncset.done $0x0  }
0xaa: {  	s25 =	simm.s32 $0x1B8E;
	s24 =	sld [smem:$0x3FFE];
	[sflag:s23] =	ssyncadd.s32 $0xFFFFFFFF  }
0xab: {  	s26 =	simm.s32 $execute0_lowered;
	[smem:$0x3FD2] =	sst s25  }
0xac: {  	s5 =	sshll.u32 s26, $0x1;
	_ =	strace $0x80000046;
	[dreg:$0x1] =	wrdreg $0xFFFFFFFF  }
0xad: {  	s28 =	simm.s32 $_size_execute0_lowered;
	s3 =	sadd.s32 s3, s5;
	[dreg:$0x0] =	wrdreg $0x0  }
0xae: {  	s5 =	sshll.u32 s28, $0x1;
	[dreg:$0x2] =	wrdreg s3  }
0xaf: {  	[dreg:$0x3] =	wrdreg s5  }
0xb0: {  	[dreg:$0x4] =	wrdreg $0xC0  }
0xb1: {  	_ =	task [dreg:s7], $0x5FFFF  }
0xb2: {  	[dreg:$0x1] =	wrdreg $0xFFFFFFFF  }
0xb3: {  	[dreg:$0x0] =	wrdreg $0x60  }
0xb4: {  	[dreg:$0x2] =	wrdreg s24  }
0xb5: {  	[dreg:$0x3] =	wrdreg s16  }
0xb6: {  	[dreg:$0x4] =	wrdreg $0x9  }
0xb7: {  	_ =	task.clear_ibuf [dreg:s7], $0x5FFFF;
	_ =	strace $0x90000046  }
0xb8: {  	s29 =	simm.s32 $0x9;
	_ =	strace $0x80000048  }
0xb9: {  	_ =	swait.ge [sflag:s29], $0x1  }
0xba: {  	[sflag:s29] =	ssyncadd.s32 $0xFFFFFFFF  }
0xbb: {  	_ =	strace $0x90000048  }
0xbc: {  	_ =	sfence  }
0xbd: {  	s30 =	sld [smem:$0x0];
	_ =	sdelay $0x2  }
0xbe: {  	s31 =	sshll.u32 s1, $0xD;
	s1 =	sshrl.u32 s1, $0x2  }
0xbf: {  	s3 =	sand.u32 $0x4000, s31;
	s1 =	sadd.s32 s1, s30  }
0xc0: {  	s0 =	sor.u32 s3, s0;
	s1 =	sshll.u32 s1, $0x11  }
0xc1: {  	s0 =	sor.u32 s1, s0  }
0xc2: {  	s0 =	sadd.s32 $0x8F2B, s0  }
0xc3: {  	[sflag:s0] =	ssyncadd.remote.s32 $0x1  }
0xc4: {  	_ =	sfence.sel $0xFFFF  }
0xc5: {  	[dreg:$0x0] =	wrdreg $0xFFFFFFFF;
	(pc) =	sbr.abs _section_cstart, $3  }
0xc6: {  	[dreg:$0x1] =	wrdreg $0xFFFFFFFF  }
0xc7: {  	_ =	task.clear_ibuf [dreg:s7], $0x2FFFF;
	_ =	strace $0x9FFFFFFF  }
0xc8: {  	(tm) =	ssettm $0x7FFFFFFF  }
0xc9: {  	_ =	shalt  }
tec
execute0_lowered:
.L_overlay_start_1:
0x0: {  	(tag) =	ssettag $0x1  }
0x1: {  	s1 =	srdreg.scid  }
0x2: {  	s2 =	sand.u32 $0x1, s1  }
0x3: {  	s0 =	stileid.u32;
	s5 =	ssub.s32 $0x2, s2  }
0x4: {  	s3 =	sshll.u32 s0, $0x1;
	s29 =	sshrl.u32 s5, $0x1  }
0x5: {  	s7 =	sor.u32 s2, s3;
	s2 =	ssub.s32 s5, s29  }
0x6: {  	s2 =	smax.u32 s2, $0x1  }
0x7: {  	s10 =	sadd.s32 $0xFFFFFFFF, s2  }
0x8: {  	s4 =	rddreg [dreg:$0x0];
	p2 =	sne.s32 s10, $0x0  }
.Ltmp0:
0x9: {  	s6 =	rddreg [dreg:$0x1];
	s30 =	simm.s32 $0x0;
	(pc) =	sbr.rel @!p2 .LBB2_3-.Ltmp0, $4  }
0xa: {  	p1 =	por $0x0, $0x0;
	[smem:$0x7FF] =	sst s30  }
0xb: {  	s1 =	rddreg [dreg:$0x2];
	_ =	strace $0x80000047;
	s8 =	sshll.u32 s7, $0xB  }
0xc: {  	p0 =	seq.s32 s7, $0x1F;
	s31 =	sadd.s32 s8, s4;
	s5 =	sadd.s32 $0x10400, s4  }
0xd: {  	s4 =	sadd.s32 $0xF800, s6;
	s3 =	sadd.s32 $0xC00, s31;
	s2 =	sadd.s32 s6, s8  }
0xe: {  	s6 =	simm.s32 @p0 $0x0;
	s7 =	simm.s32 @p0 $0x1  }
0xf: {  	[tilespmem:s6], [sflag:$0x1] =	stream.linear.gather @p0 [hbm4b:s5+s6], $0x3C00, $0x38;
	[tilespmem:$0x4000] =	vst v63  }
0x10: {  	_ =	swait.ge @p0 [sflag:s7], $0x3C00  }
0x11: {  	[sflag:s7] =	ssyncset.done @p0 $0x0  }
0x12: {  	[sflag:s7] =	ssyncadd.s32 @p0 $0xFFFFC400  }
0x13: {  	[hbm4b:s4+s6] =	stream.linear.scatter @p0 [tilespmem:s6], [sflag:$0x1], $0x3C00, $0x38;
	[tilespmem:$0x4000] =	vst v63  }
0x14: {  	_ =	swait.ge @p0 [sflag:s7], $0x3C00  }
0x15: {  	s9 =	simm.s32 @!p0 $0x0;
	[sflag:s7] =	ssyncset.done @p0 $0x0  }
0x16: {  	s8 =	simm.s32 @!p0 $0x1;
	s10 =	sadd.s32 $0xFFFFFFFF, s10;
	[sflag:s7] =	ssyncadd.s32 @p0 $0xFFFFC400  }
0x17: {  	[tilespmem:s9], [sflag:$0x1] =	stream.linear.gather @!p0 [hbm4b:s3+s9], $0x4000, $0x38;
	[tilespmem:$0x4000] =	vst v63  }
0x18: {  	p2 =	sne.s32 s10, $0x0;
	_ =	swait.ge @!p0 [sflag:s8], $0x4000  }
.Ltmp1:
0x19: {  	[sflag:s8] =	ssyncset.done @!p0 $0x0;
	(pc) =	sbr.rel @!p2 .LBB2_3-.Ltmp1, $4  }
0x1a: {  	[sflag:s8] =	ssyncadd.s32 @!p0 $0xFFFFC000  }
0x1b: {  	[hbm4b:s2+s9] =	stream.linear.scatter @!p0 [tilespmem:s9], [sflag:$0x1], $0x4000, $0x38;
	[tilespmem:$0x4000] =	vst v63  }
0x1c: {  	_ =	swait.ge @!p0 [sflag:s8], $0x4000  }
0x1d: {  	p1 =	por $0x1, $0x1;
	[sflag:s8] =	ssyncset.done @!p0 $0x0  }
.LBB2_2:
0x1e: {  	[sflag:s8] =	ssyncadd.s32 @!p0 $0xFFFFC000  }
0x1f: {  	[tilespmem:s6], [sflag:$0x1] =	stream.linear.gather @p0 [hbm4b:s5+s6], $0x3C00, $0x38;
	[tilespmem:$0x4000] =	vst v63  }
0x20: {  	s10 =	sadd.s32 $0xFFFFFFFF, s10;
	_ =	swait.ge @p0 [sflag:s7], $0x3C00  }
0x21: {  	p2 =	sne.s32 s10, $0x0;
	[sflag:s7] =	ssyncset.done @p0 $0x0  }
0x22: {  	[sflag:s7] =	ssyncadd.s32 @p0 $0xFFFFC400  }
0x23: {  	[hbm4b:s4+s6] =	stream.linear.scatter @p0 [tilespmem:s6], [sflag:$0x1], $0x3C00, $0x38;
	[tilespmem:$0x4000] =	vst v63  }
0x24: {  	_ =	swait.ge @p0 [sflag:s7], $0x3C00  }
0x25: {  	[sflag:s7] =	ssyncset.done @p0 $0x0  }
0x26: {  	[sflag:s7] =	ssyncadd.s32 @p0 $0xFFFFC400  }
0x27: {  	[tilespmem:s9], [sflag:$0x1] =	stream.linear.gather @!p0 [hbm4b:s3+s9], $0x4000, $0x38;
	[tilespmem:$0x4000] =	vst v63  }
0x28: {  	_ =	swait.ge @!p0 [sflag:s8], $0x4000  }
.Ltmp2:
0x29: {  	[sflag:s8] =	ssyncset.done @!p0 $0x0;
	(pc) =	sbr.rel @p2 .LBB2_2-.Ltmp2, $4  }
0x2a: {  	[sflag:s8] =	ssyncadd.s32 @!p0 $0xFFFFC000  }
0x2b: {  	[hbm4b:s2+s9] =	stream.linear.scatter @!p0 [tilespmem:s9], [sflag:$0x1], $0x4000, $0x38;
	[tilespmem:$0x4000] =	vst v63  }
0x2c: {  	_ =	swait.ge @!p0 [sflag:s8], $0x4000  }
0x2d: {  	[sflag:s8] =	ssyncset.done @!p0 $0x0  }
.LBB2_3:
0x2e: {  	p1 =	por p0, !p1  }
0x2f: {  	s6 =	simm.s32 @p0 $0x0;
	s7 =	simm.s32 @p0 $0x1;
	[sflag:s8] =	ssyncadd.s32 @!p1 $0xFFFFC000  }
0x30: {  	[tilespmem:s6], [sflag:$0x1] =	stream.linear.gather @p0 [hbm4b:s5+s6], $0x3C00, $0x38;
	[tilespmem:$0x4000] =	vst v63  }
0x31: {  	_ =	swait.ge @p0 [sflag:s7], $0x3C00  }
0x32: {  	[sflag:s7] =	ssyncset.done @p0 $0x0  }
0x33: {  	[sflag:s7] =	ssyncadd.s32 @p0 $0xFFFFC400  }
0x34: {  	[hbm4b:s4+s6] =	stream.linear.scatter @p0 [tilespmem:s6], [sflag:$0x1], $0x3C00, $0x38;
	[tilespmem:$0x4000] =	vst v63  }
0x35: {  	_ =	swait.ge @p0 [sflag:s7], $0x3C00  }
0x36: {  	[sflag:s7] =	ssyncset.done @p0 $0x0  }
0x37: {  	s5 =	simm.s32 @!p0 $0x1;
	s4 =	simm.s32 @!p0 $0x0;
	[sflag:s7] =	ssyncadd.s32 @p0 $0xFFFFC400  }
0x38: {  	[tilespmem:s4], [sflag:$0x1] =	stream.linear.gather @!p0 [hbm4b:s3+s4], $0x4000, $0x38;
	[tilespmem:$0x4000] =	vst v63  }
0x39: {  	_ =	swait.ge @!p0 [sflag:s5], $0x4000  }
0x3a: {  	[sflag:s5] =	ssyncset.done @!p0 $0x0  }
0x3b: {  	[sflag:s5] =	ssyncadd.s32 @!p0 $0xFFFFC000  }
0x3c: {  	[hbm4b:s2+s4] =	stream.linear.scatter @!p0 [tilespmem:s4], [sflag:$0x1], $0x4000, $0x38;
	[tilespmem:$0x4000] =	vst v63  }
0x3d: {  	_ =	swait.ge @!p0 [sflag:s5], $0x4000  }
0x3e: {  	[sflag:s5] =	ssyncset.done @!p0 $0x0  }
0x3f: {  	[sflag:s5] =	ssyncadd.s32 @!p0 $0xFFFFC000  }
0x40: {  	_ =	sfence.sel $0x180000  }
0x41: {  	[bflag:$0x0] =	sbarrier.arrive $0xFFFF  }
0x42: {  	p0 =	sne.s32 s0, $0x0;
	_ =	strace $0x90000047  }
0x43: {  	s0 =	sadd.s32 @!p0 $0x100000, s1;
	[bflag:$0x2] =	sbarrier.arrive $0xFFFF  }
0x44: {  	[sflag:s0] =	ssyncadd.tile.s32 @!p0 $0x1;
	_ =	shalt  }
.Lfunc_end2:
_tile_overlayer_lowered:
.L_overlay_start_2:
0x45: {  	(tag) =	ssettag $0x2  }
0x46: {  	s0 =	rddreg [dreg:$0x0];
	s2 =	stileid.u32  }
0x47: {  	s1 =	rddreg [dreg:$0x1];
	p0 =	sne.s32 s2, $0x0  }
0x48: {  	s3 =	rddreg [dreg:$0x2];
	[bflag:$0x3] =	sbarrier.arrive $0xFFFF;
	s2 =	simm.s32 @!p0 $0x1C01  }
0x49: {  	[timem:s3], [sflag:s2] =	dma.local @!p0 [hbm:s0], s1  }
0x4a: {  	s0 =	simm.s32 @!p0 $0x1  }
0x4b: {  	_ =	swait.ge @!p0 [sflag:s0], s1  }
0x4c: {  	s1 =	ssub.s32 @!p0 $0x0, s1;
	[sflag:s0] =	ssyncset.done @!p0 $0x0  }
0x4d: {  	[sflag:s0] =	ssyncadd.s32 @!p0 s1  }
0x4e: {  	[bflag:$0x3] =	sbarrier.arrive $0xFFFF  }
0x4f: {  	_ =	shalt  }

</sc_bundles>
